<compile_context>
chip_gen: v7x
topology: tpu7x:2x2x1
jax: 0.10.2.dev20260603
libtpu: 0.0.44.dev20260713+nightly
codegen_flags: <defaults>
</compile_context>

<pallas_src>
import functools

import jax
import jax.numpy as jnp
from jax import lax
from jax.experimental import pallas as pl
from jax.experimental.pallas import tpu as pltpu
from jax.experimental.pallas import tpu_sc as plsc

_NSLOT = 3


def _gather_kernel(B, D, NC, NW, b_per_w, CH):
    n_ch = b_per_w // CH
    mesh = plsc.VectorSubcoreMesh(core_axis_name="c", subcore_axis_name="s")

    scratch = [pltpu.VMEM((b_per_w,), jnp.int32)]
    scratch += [pltpu.VMEM((CH, D), jnp.float32) for _ in range(_NSLOT)]
    scratch += [pltpu.SemaphoreType.DMA for _ in range(2 * _NSLOT)]

    @functools.partial(
        pl.kernel,
        mesh=mesh,
        out_type=[
            jax.ShapeDtypeStruct((B, D), jnp.float32),
            jax.ShapeDtypeStruct((B, D), jnp.float32),
        ],
        scratch_types=scratch,
    )
    def k(ids_hbm, s_hbm, t_hbm, zs_hbm, zt_hbm, idx_v, *bufs):
        rows = bufs[0:_NSLOT]
        sem_g = bufs[_NSLOT:2 * _NSLOT]
        sem_w = bufs[2 * _NSLOT:]

        wid = lax.axis_index("s") * NC + lax.axis_index("c")
        pair = wid // 2
        base = pair * b_per_w
        pltpu.sync_copy(ids_hbm.at[pl.ds(base, CH)], idx_v.at[pl.ds(0, CH)])

        def body(tbl_hbm, out_hbm):
            def start_gather(c):
                slot = c % _NSLOT
                idx_c = idx_v.at[pl.ds(c * CH, CH)]
                return pltpu.async_copy(tbl_hbm.at[idx_c], rows[slot], sem_g[slot])

            gathers = [None] * n_ch
            writes = [None] * n_ch
            gathers[0] = start_gather(0)
            if n_ch > 1:
                pltpu.sync_copy(
                    ids_hbm.at[pl.ds(base + CH, b_per_w - CH)],
                    idx_v.at[pl.ds(CH, b_per_w - CH)])
            for c in range(n_ch):
                slot = c % _NSLOT
                if c + 1 < n_ch:
                    if c + 1 >= _NSLOT:
                        writes[c + 1 - _NSLOT].wait()
                    gathers[c + 1] = start_gather(c + 1)
                gathers[c].wait()
                dst = pl.ds(base + c * CH, CH)
                writes[c] = pltpu.async_copy(rows[slot], out_hbm.at[dst], sem_w[slot])
            for c in range(max(0, n_ch - _NSLOT), n_ch):
                writes[c].wait()

        @pl.when(wid % 2 == 0)
        def _():
            body(s_hbm, zs_hbm)

        @pl.when(wid % 2 == 1)
        def _():
            body(t_hbm, zt_hbm)

    return k


def kernel(object_ids, shape_table, texture_table):
    B = object_ids.shape[0]
    D = shape_table.shape[1]
    info = plsc.get_sparse_core_info()
    NC, NS = info.num_cores, info.num_subcores
    NW = NC * NS
    b_per_w = (2 * B) // NW
    CH = 256

    ids = object_ids.astype(jnp.int32)
    k = _gather_kernel(B, D, NC, NW, b_per_w, CH)
    z_s, z_t = k(ids, shape_table, texture_table)
    return (z_s, z_t)

# --- scband reference (transcript-rebuilt; emitter-appended) ---
"""Pipeline reference for scband-shape-texturecode-8658654068869 (READ-ONLY COPY).

The authoritative reference and input builder live on the scoring server;
editing this copy changes nothing except your own understanding.
"""

import jax, jax.numpy as jnp
import numpy as np

NUM_CODES = 100000
CODE_SIZE = 128
BATCH = 16384

def setup_inputs(seed: int = 0) -> dict:
    key = jax.random.key(seed)
    k_idx, k_s, k_t = jax.random.split(key, 3)
    object_ids = jax.random.randint(k_idx, (BATCH,), 0, NUM_CODES, dtype=jnp.int64 if jax.config.jax_enable_x64 else jnp.int32)
    shape_table = jax.random.normal(k_s, (NUM_CODES, CODE_SIZE), dtype=jnp.float32)
    texture_table = jax.random.normal(k_t, (NUM_CODES, CODE_SIZE), dtype=jnp.float32)
    return {"object_ids": object_ids, "shape_table": shape_table, "texture_table": texture_table}

def reference(object_ids, shape_table, texture_table):
    # Embedding lookup into two separate tables (shape code + texture code)
    z_s = jnp.take(shape_table, object_ids, axis=0)
    z_t = jnp.take(texture_table, object_ids, axis=0)
    return (z_s, z_t)

if __name__ == "__main__":
    import jax
    _d = setup_inputs()
    print(jax.jit(kernel)(*tuple(_d.values())))

</pallas_src>

<mosaic_0001>
#map = affine_map<(d0, d1) -> (0)>
#map1 = affine_map<(d0, d1) -> (0, 0)>
module attributes {stable_mosaic.version = 14 : i64} {
  func.func @k(%arg0: i32, %arg1: i32, %arg2: memref<16384xi32, #tpu.memory_space<hbm>>, %arg3: memref<100000x128xf32, #tpu.memory_space<hbm>>, %arg4: memref<100000x128xf32, #tpu.memory_space<hbm>>, %arg5: memref<16384x128xf32, #tpu.memory_space<hbm>>, %arg6: memref<16384x128xf32, #tpu.memory_space<hbm>>, %arg7: memref<1024xi32, #tpu.memory_space<vmem>>, %arg8: memref<256x128xf32, #tpu.memory_space<vmem>>, %arg9: memref<256x128xf32, #tpu.memory_space<vmem>>, %arg10: memref<256x128xf32, #tpu.memory_space<vmem>>, %arg11: memref<!tpu.dma_semaphore, #tpu.memory_space<semaphore_mem>>, %arg12: memref<!tpu.dma_semaphore, #tpu.memory_space<semaphore_mem>>, %arg13: memref<!tpu.dma_semaphore, #tpu.memory_space<semaphore_mem>>, %arg14: memref<!tpu.dma_semaphore, #tpu.memory_space<semaphore_mem>>, %arg15: memref<!tpu.dma_semaphore, #tpu.memory_space<semaphore_mem>>, %arg16: memref<!tpu.dma_semaphore, #tpu.memory_space<semaphore_mem>>) attributes {dimension_semantics = [#tpu.dimension_semantics<core_parallel>, #tpu.dimension_semantics<subcore_parallel>], iteration_bounds = array<i64: 2, 16>, scalar_prefetch = 0 : i64, scratch_operands = 10 : i64, tpu.core_type = #tpu.core_type<sc_vector_subcore>, window_params = [{transform_indices = #map}, {transform_indices = #map1}, {transform_indices = #map1}, {transform_indices = #map1}, {transform_indices = #map1}]} {
    %mul3A = arith.constant 2 : i32
    %mul3A_0 = arith.muli %arg1, %mul3A : i32
    %add3A = arith.addi %mul3A_0, %arg0 : i32
    %jit3A = arith.constant 2 : i32
    %div3A = arith.divsi %add3A, %jit3A : i32
    %sign3A = arith.constant 0 : i32
    %sign3A_1 = arith.cmpi sgt, %add3A, %sign3A : i32
    %sign3A_2 = arith.extui %sign3A_1 : i1 to i32
    %sign3A_3 = arith.constant 0 : i32
    %sign3A_4 = arith.cmpi slt, %add3A, %sign3A_3 : i32
    %sign3A_5 = arith.extui %sign3A_4 : i1 to i32
    %sign3A_6 = arith.subi %sign3A_2, %sign3A_5 : i32
    %sign3A_7 = arith.constant 0 : i32
    %sign3A_8 = arith.cmpi sgt, %jit3A, %sign3A_7 : i32
    %sign3A_9 = arith.extui %sign3A_8 : i1 to i32
    %sign3A_10 = arith.constant 0 : i32
    %sign3A_11 = arith.cmpi slt, %jit3A, %sign3A_10 : i32
    %sign3A_12 = arith.extui %sign3A_11 : i1 to i32
    %sign3A_13 = arith.subi %sign3A_9, %sign3A_12 : i32
    %ne3A = arith.cmpi ne, %sign3A_6, %sign3A_13 : i32
    %rem3A = arith.remsi %add3A, %jit3A : i32
    %ne3A_14 = arith.constant 0 : i32
    %ne3A_15 = arith.cmpi ne, %rem3A, %ne3A_14 : i32
    %and3A = arith.andi %ne3A, %ne3A_15 : i1
    %sub3A = arith.constant 1 : i32
    %sub3A_16 = arith.subi %div3A, %sub3A : i32
    %select_n3A = arith.select %and3A, %sub3A_16, %div3A : i32
    %mul3A_17 = arith.constant 1024 : i32
    %mul3A_18 = arith.muli %select_n3A, %mul3A_17 : i32
    "tpu.region"() ({
      %run_scoped3A = tpu.sem_alloc : memref<!tpu.dma_semaphore, #tpu.memory_space<semaphore_mem>>
      %dma_start3A = arith.constant 0 : i32
      %dma_start3A_57 = tpu.memref_slice %arg7[%dma_start3A] : memref<1024xi32, #tpu.memory_space<vmem>> -> memref<256xi32, #tpu.memory_space<vmem>>
      %dma_start3A_58 = tpu.memref_slice %arg2[%mul3A_18] : memref<16384xi32, #tpu.memory_space<hbm>> -> memref<256xi32, #tpu.memory_space<hbm>>
      %dma_start3A_59 = arith.constant 0 : i32
      %dma_start3A_60 = tpu.memref_slice %arg7[%dma_start3A_59] : memref<1024xi32, #tpu.memory_space<vmem>> -> memref<256xi32, #tpu.memory_space<vmem>>
      %dma_start3A_61 = tpu.memref_slice %arg2[%mul3A_18] : memref<16384xi32, #tpu.memory_space<hbm>> -> memref<256xi32, #tpu.memory_space<hbm>>
      tpu.enqueue_dma source(%dma_start3A_61 : memref<256xi32, #tpu.memory_space<hbm>>) target(%dma_start3A_60 : memref<256xi32, #tpu.memory_space<vmem>>) target_semaphore(%run_scoped3A : memref<!tpu.dma_semaphore, #tpu.memory_space<semaphore_mem>>)
      %dma_wait3A = arith.constant 0 : i32
      %dma_wait3A_62 = tpu.memref_slice %arg7[%dma_wait3A] : memref<1024xi32, #tpu.memory_space<vmem>> -> memref<256xi32, #tpu.memory_space<vmem>>
      %dma_wait3A_63 = tpu.memref_slice %arg2[%mul3A_18] : memref<16384xi32, #tpu.memory_space<hbm>> -> memref<256xi32, #tpu.memory_space<hbm>>
      %dma_wait3A_64 = arith.constant 0 : i32
      %dma_wait3A_65 = tpu.memref_slice %arg7[%dma_wait3A_64] : memref<1024xi32, #tpu.memory_space<vmem>> -> memref<256xi32, #tpu.memory_space<vmem>>
      %dma_wait3A_66 = tpu.memref_slice %arg2[%mul3A_18] : memref<16384xi32, #tpu.memory_space<hbm>> -> memref<256xi32, #tpu.memory_space<hbm>>
      tpu.wait_dma2 semaphore(%run_scoped3A : memref<!tpu.dma_semaphore, #tpu.memory_space<semaphore_mem>>) src(%dma_wait3A_66 : memref<256xi32, #tpu.memory_space<hbm>>) dst(%dma_wait3A_65 : memref<256xi32, #tpu.memory_space<vmem>>)
      tpu.yield
    }) : () -> ()
    %jit3A_19 = arith.constant 2 : i32
    %eq3A = arith.constant 0 : i32
    %eq3A_20 = arith.cmpi eq, %jit3A_19, %eq3A : i32
    %jit3A_21 = arith.constant 1 : i32
    %select_n3A_22 = arith.select %eq3A_20, %jit3A_21, %jit3A_19 : i32
    %rem3A_23 = arith.remsi %add3A, %select_n3A_22 : i32
    %ne3A_24 = arith.constant 0 : i32
    %ne3A_25 = arith.cmpi ne, %rem3A_23, %ne3A_24 : i32
    %lt3A = arith.constant 0 : i32
    %lt3A_26 = arith.cmpi slt, %rem3A_23, %lt3A : i32
    %lt3A_27 = arith.constant 0 : i32
    %lt3A_28 = arith.cmpi slt, %select_n3A_22, %lt3A_27 : i32
    %ne3A_29 = arith.xori %lt3A_26, %lt3A_28 : i1
    %and3A_30 = arith.andi %ne3A_29, %ne3A_25 : i1
    %add3A_31 = arith.addi %rem3A_23, %select_n3A_22 : i32
    %select_n3A_32 = arith.select %and3A_30, %add3A_31, %rem3A_23 : i32
    %eq3A_33 = arith.constant 0 : i32
    %eq3A_34 = arith.cmpi eq, %select_n3A_32, %eq3A_33 : i32
    %convert_element_type3A = arith.extui %eq3A_34 : i1 to i32
    %cond3A = arith.constant 0 : i32
    %cond3A_35 = arith.cmpi ne, %convert_element_type3A, %cond3A : i32
    scf.if %cond3A_35 {
      %dma_start3A = arith.constant 0 : i32
      %dma_start3A_57 = tpu.memref_slice %arg7[%dma_start3A] : memref<1024xi32, #tpu.memory_space<vmem>> -> memref<256xi32, #tpu.memory_space<vmem>>
      %dma_start3A_58 = arith.constant 0 : i32
      %dma_start3A_59 = arith.constant 0 : i32
      %dma_start3A_60 = tpu.memref_slice %arg3[%dma_start3A_58, %dma_start3A_59] : memref<100000x128xf32, #tpu.memory_space<hbm>> -> memref<100000x128xf32, #tpu.memory_space<hbm>>
      tpu.enqueue_indirect_dma source(%dma_start3A_60 : memref<100000x128xf32, #tpu.memory_space<hbm>>) target(%arg8 : memref<256x128xf32, #tpu.memory_space<vmem>>) offsets(%dma_start3A_57 : memref<256xi32, #tpu.memory_space<vmem>>) semaphore(%arg11 : memref<!tpu.dma_semaphore, #tpu.memory_space<semaphore_mem>>)
      %add3A_61 = arith.constant 256 : i32
      %add3A_62 = arith.addi %mul3A_18, %add3A_61 : i32
      "tpu.region"() ({
        %run_scoped3A = tpu.sem_alloc : memref<!tpu.dma_semaphore, #tpu.memory_space<semaphore_mem>>
        %dma_start3A_137 = arith.constant 256 : i32
        %dma_start3A_138 = tpu.memref_slice %arg7[%dma_start3A_137] : memref<1024xi32, #tpu.memory_space<vmem>> -> memref<768xi32, #tpu.memory_space<vmem>>
        %dma_start3A_139 = tpu.memref_slice %arg2[%add3A_62] : memref<16384xi32, #tpu.memory_space<hbm>> -> memref<768xi32, #tpu.memory_space<hbm>>
        %dma_start3A_140 = arith.constant 256 : i32
        %dma_start3A_141 = tpu.memref_slice %arg7[%dma_start3A_140] : memref<1024xi32, #tpu.memory_space<vmem>> -> memref<768xi32, #tpu.memory_space<vmem>>
        %dma_start3A_142 = tpu.memref_slice %arg2[%add3A_62] : memref<16384xi32, #tpu.memory_space<hbm>> -> memref<768xi32, #tpu.memory_space<hbm>>
        tpu.enqueue_dma source(%dma_start3A_142 : memref<768xi32, #tpu.memory_space<hbm>>) target(%dma_start3A_141 : memref<768xi32, #tpu.memory_space<vmem>>) target_semaphore(%run_scoped3A : memref<!tpu.dma_semaphore, #tpu.memory_space<semaphore_mem>>)
        %dma_wait3A_143 = arith.constant 256 : i32
        %dma_wait3A_144 = tpu.memref_slice %arg7[%dma_wait3A_143] : memref<1024xi32, #tpu.memory_space<vmem>> -> memref<768xi32, #tpu.memory_space<vmem>>
        %dma_wait3A_145 = tpu.memref_slice %arg2[%add3A_62] : memref<16384xi32, #tpu.memory_space<hbm>> -> memref<768xi32, #tpu.memory_space<hbm>>
        %dma_wait3A_146 = arith.constant 256 : i32
        %dma_wait3A_147 = tpu.memref_slice %arg7[%dma_wait3A_146] : memref<1024xi32, #tpu.memory_space<vmem>> -> memref<768xi32, #tpu.memory_space<vmem>>
        %dma_wait3A_148 = tpu.memref_slice %arg2[%add3A_62] : memref<16384xi32, #tpu.memory_space<hbm>> -> memref<768xi32, #tpu.memory_space<hbm>>
        tpu.wait_dma2 semaphore(%run_scoped3A : memref<!tpu.dma_semaphore, #tpu.memory_space<semaphore_mem>>) src(%dma_wait3A_148 : memref<768xi32, #tpu.memory_space<hbm>>) dst(%dma_wait3A_147 : memref<768xi32, #tpu.memory_space<vmem>>)
        tpu.yield
      }) : () -> ()
      %dma_start3A_63 = arith.constant 256 : i32
      %dma_start3A_64 = tpu.memref_slice %arg7[%dma_start3A_63] : memref<1024xi32, #tpu.memory_space<vmem>> -> memref<256xi32, #tpu.memory_space<vmem>>
      %dma_start3A_65 = arith.constant 0 : i32
      %dma_start3A_66 = arith.constant 0 : i32
      %dma_start3A_67 = tpu.memref_slice %arg3[%dma_start3A_65, %dma_start3A_66] : memref<100000x128xf32, #tpu.memory_space<hbm>> -> memref<100000x128xf32, #tpu.memory_space<hbm>>
      tpu.enqueue_indirect_dma source(%dma_start3A_67 : memref<100000x128xf32, #tpu.memory_space<hbm>>) target(%arg9 : memref<256x128xf32, #tpu.memory_space<vmem>>) offsets(%dma_start3A_64 : memref<256xi32, #tpu.memory_space<vmem>>) semaphore(%arg12 : memref<!tpu.dma_semaphore, #tpu.memory_space<semaphore_mem>>)
      %dma_wait3A = arith.constant 0 : i32
      %dma_wait3A_68 = tpu.memref_slice %arg7[%dma_wait3A] : memref<1024xi32, #tpu.memory_space<vmem>> -> memref<256xi32, #tpu.memory_space<vmem>>
      %dma_wait3A_69 = arith.constant 0 : i32
      %dma_wait3A_70 = arith.constant 0 : i32
      %dma_wait3A_71 = tpu.memref_slice %arg3[%dma_wait3A_69, %dma_wait3A_70] : memref<100000x128xf32, #tpu.memory_space<hbm>> -> memref<100000x128xf32, #tpu.memory_space<hbm>>
      tpu.wait_indirect_dma semaphore(%arg11 : memref<!tpu.dma_semaphore, #tpu.memory_space<semaphore_mem>>) src(%dma_wait3A_71 : memref<100000x128xf32, #tpu.memory_space<hbm>>) dst(%arg8 : memref<256x128xf32, #tpu.memory_space<vmem>>)
      %add3A_72 = arith.constant 0 : i32
      %add3A_73 = arith.addi %mul3A_18, %add3A_72 : i32
      %dma_start3A_74 = arith.constant 0 : i32
      %dma_start3A_75 = tpu.memref_slice %arg5[%add3A_73, %dma_start3A_74] : memref<16384x128xf32, #tpu.memory_space<hbm>> -> memref<256x128xf32, #tpu.memory_space<hbm>>
      %dma_start3A_76 = arith.constant 0 : i32
      %dma_start3A_77 = tpu.memref_slice %arg5[%add3A_73, %dma_start3A_76] : memref<16384x128xf32, #tpu.memory_space<hbm>> -> memref<256x128xf32, #tpu.memory_space<hbm>>
      tpu.enqueue_dma source(%arg8 : memref<256x128xf32, #tpu.memory_space<vmem>>) target(%dma_start3A_77 : memref<256x128xf32, #tpu.memory_space<hbm>>) target_semaphore(%arg14 : memref<!tpu.dma_semaphore, #tpu.memory_space<semaphore_mem>>)
      %dma_start3A_78 = arith.constant 512 : i32
      %dma_start3A_79 = tpu.memref_slice %arg7[%dma_start3A_78] : memref<1024xi32, #tpu.memory_space<vmem>> -> memref<256xi32, #tpu.memory_space<vmem>>
      %dma_start3A_80 = arith.constant 0 : i32
      %dma_start3A_81 = arith.constant 0 : i32
      %dma_start3A_82 = tpu.memref_slice %arg3[%dma_start3A_80, %dma_start3A_81] : memref<100000x128xf32, #tpu.memory_space<hbm>> -> memref<100000x128xf32, #tpu.memory_space<hbm>>
      tpu.enqueue_indirect_dma source(%dma_start3A_82 : memref<100000x128xf32, #tpu.memory_space<hbm>>) target(%arg10 : memref<256x128xf32, #tpu.memory_space<vmem>>) offsets(%dma_start3A_79 : memref<256xi32, #tpu.memory_space<vmem>>) semaphore(%arg13 : memref<!tpu.dma_semaphore, #tpu.memory_space<semaphore_mem>>)
      %dma_wait3A_83 = arith.constant 256 : i32
      %dma_wait3A_84 = tpu.memref_slice %arg7[%dma_wait3A_83] : memref<1024xi32, #tpu.memory_space<vmem>> -> memref<256xi32, #tpu.memory_space<vmem>>
      %dma_wait3A_85 = arith.constant 0 : i32
      %dma_wait3A_86 = arith.constant 0 : i32
      %dma_wait3A_87 = tpu.memref_slice %arg3[%dma_wait3A_85, %dma_wait3A_86] : memref<100000x128xf32, #tpu.memory_space<hbm>> -> memref<100000x128xf32, #tpu.memory_space<hbm>>
      tpu.wait_indirect_dma semaphore(%arg12 : memref<!tpu.dma_semaphore, #tpu.memory_space<semaphore_mem>>) src(%dma_wait3A_87 : memref<100000x128xf32, #tpu.memory_space<hbm>>) dst(%arg9 : memref<256x128xf32, #tpu.memory_space<vmem>>)
      %add3A_88 = arith.constant 256 : i32
      %add3A_89 = arith.addi %mul3A_18, %add3A_88 : i32
      %dma_start3A_90 = arith.constant 0 : i32
      %dma_start3A_91 = tpu.memref_slice %arg5[%add3A_89, %dma_start3A_90] : memref<16384x128xf32, #tpu.memory_space<hbm>> -> memref<256x128xf32, #tpu.memory_space<hbm>>
      %dma_start3A_92 = arith.constant 0 : i32
      %dma_start3A_93 = tpu.memref_slice %arg5[%add3A_89, %dma_start3A_92] : memref<16384x128xf32, #tpu.memory_space<hbm>> -> memref<256x128xf32, #tpu.memory_space<hbm>>
      tpu.enqueue_dma source(%arg9 : memref<256x128xf32, #tpu.memory_space<vmem>>) target(%dma_start3A_93 : memref<256x128xf32, #tpu.memory_space<hbm>>) target_semaphore(%arg15 : memref<!tpu.dma_semaphore, #tpu.memory_space<semaphore_mem>>)
      %dma_wait3A_94 = arith.constant 0 : i32
      %dma_wait3A_95 = tpu.memref_slice %arg5[%add3A_73, %dma_wait3A_94] : memref<16384x128xf32, #tpu.memory_space<hbm>> -> memref<256x128xf32, #tpu.memory_space<hbm>>
      %dma_wait3A_96 = arith.constant 0 : i32
      %dma_wait3A_97 = tpu.memref_slice %arg5[%add3A_73, %dma_wait3A_96] : memref<16384x128xf32, #tpu.memory_space<hbm>> -> memref<256x128xf32, #tpu.memory_space<hbm>>
      tpu.wait_dma2 semaphore(%arg14 : memref<!tpu.dma_semaphore, #tpu.memory_space<semaphore_mem>>) src(%arg8 : memref<256x128xf32, #tpu.memory_space<vmem>>) dst(%dma_wait3A_97 : memref<256x128xf32, #tpu.memory_space<hbm>>)
      %dma_start3A_98 = arith.constant 768 : i32
      %dma_start3A_99 = tpu.memref_slice %arg7[%dma_start3A_98] : memref<1024xi32, #tpu.memory_space<vmem>> -> memref<256xi32, #tpu.memory_space<vmem>>
      %dma_start3A_100 = arith.constant 0 : i32
      %dma_start3A_101 = arith.constant 0 : i32
      %dma_start3A_102 = tpu.memref_slice %arg3[%dma_start3A_100, %dma_start3A_101] : memref<100000x128xf32, #tpu.memory_space<hbm>> -> memref<100000x128xf32, #tpu.memory_space<hbm>>
      tpu.enqueue_indirect_dma source(%dma_start3A_102 : memref<100000x128xf32, #tpu.memory_space<hbm>>) target(%arg8 : memref<256x128xf32, #tpu.memory_space<vmem>>) offsets(%dma_start3A_99 : memref<256xi32, #tpu.memory_space<vmem>>) semaphore(%arg11 : memref<!tpu.dma_semaphore, #tpu.memory_space<semaphore_mem>>)
      %dma_wait3A_103 = arith.constant 512 : i32
      %dma_wait3A_104 = tpu.memref_slice %arg7[%dma_wait3A_103] : memref<1024xi32, #tpu.memory_space<vmem>> -> memref<256xi32, #tpu.memory_space<vmem>>
      %dma_wait3A_105 = arith.constant 0 : i32
      %dma_wait3A_106 = arith.constant 0 : i32
      %dma_wait3A_107 = tpu.memref_slice %arg3[%dma_wait3A_105, %dma_wait3A_106] : memref<100000x128xf32, #tpu.memory_space<hbm>> -> memref<100000x128xf32, #tpu.memory_space<hbm>>
      tpu.wait_indirect_dma semaphore(%arg13 : memref<!tpu.dma_semaphore, #tpu.memory_space<semaphore_mem>>) src(%dma_wait3A_107 : memref<100000x128xf32, #tpu.memory_space<hbm>>) dst(%arg10 : memref<256x128xf32, #tpu.memory_space<vmem>>)
      %add3A_108 = arith.constant 512 : i32
      %add3A_109 = arith.addi %mul3A_18, %add3A_108 : i32
      %dma_start3A_110 = arith.constant 0 : i32
      %dma_start3A_111 = tpu.memref_slice %arg5[%add3A_109, %dma_start3A_110] : memref<16384x128xf32, #tpu.memory_space<hbm>> -> memref<256x128xf32, #tpu.memory_space<hbm>>
      %dma_start3A_112 = arith.constant 0 : i32
      %dma_start3A_113 = tpu.memref_slice %arg5[%add3A_109, %dma_start3A_112] : memref<16384x128xf32, #tpu.memory_space<hbm>> -> memref<256x128xf32, #tpu.memory_space<hbm>>
      tpu.enqueue_dma source(%arg10 : memref<256x128xf32, #tpu.memory_space<vmem>>) target(%dma_start3A_113 : memref<256x128xf32, #tpu.memory_space<hbm>>) target_semaphore(%arg16 : memref<!tpu.dma_semaphore, #tpu.memory_space<semaphore_mem>>)
      %dma_wait3A_114 = arith.constant 768 : i32
      %dma_wait3A_115 = tpu.memref_slice %arg7[%dma_wait3A_114] : memref<1024xi32, #tpu.memory_space<vmem>> -> memref<256xi32, #tpu.memory_space<vmem>>
      %dma_wait3A_116 = arith.constant 0 : i32
      %dma_wait3A_117 = arith.constant 0 : i32
      %dma_wait3A_118 = tpu.memref_slice %arg3[%dma_wait3A_116, %dma_wait3A_117] : memref<100000x128xf32, #tpu.memory_space<hbm>> -> memref<100000x128xf32, #tpu.memory_space<hbm>>
      tpu.wait_indirect_dma semaphore(%arg11 : memref<!tpu.dma_semaphore, #tpu.memory_space<semaphore_mem>>) src(%dma_wait3A_118 : memref<100000x128xf32, #tpu.memory_space<hbm>>) dst(%arg8 : memref<256x128xf32, #tpu.memory_space<vmem>>)
      %add3A_119 = arith.constant 768 : i32
      %add3A_120 = arith.addi %mul3A_18, %add3A_119 : i32
      %dma_start3A_121 = arith.constant 0 : i32
      %dma_start3A_122 = tpu.memref_slice %arg5[%add3A_120, %dma_start3A_121] : memref<16384x128xf32, #tpu.memory_space<hbm>> -> memref<256x128xf32, #tpu.memory_space<hbm>>
      %dma_start3A_123 = arith.constant 0 : i32
      %dma_start3A_124 = tpu.memref_slice %arg5[%add3A_120, %dma_start3A_123] : memref<16384x128xf32, #tpu.memory_space<hbm>> -> memref<256x128xf32, #tpu.memory_space<hbm>>
      tpu.enqueue_dma source(%arg8 : memref<256x128xf32, #tpu.memory_space<vmem>>) target(%dma_start3A_124 : memref<256x128xf32, #tpu.memory_space<hbm>>) target_semaphore(%arg14 : memref<!tpu.dma_semaphore, #tpu.memory_space<semaphore_mem>>)
      %dma_wait3A_125 = arith.constant 0 : i32
      %dma_wait3A_126 = tpu.memref_slice %arg5[%add3A_89, %dma_wait3A_125] : memref<16384x128xf32, #tpu.memory_space<hbm>> -> memref<256x128xf32, #tpu.memory_space<hbm>>
      %dma_wait3A_127 = arith.constant 0 : i32
      %dma_wait3A_128 = tpu.memref_slice %arg5[%add3A_89, %dma_wait3A_127] : memref<16384x128xf32, #tpu.memory_space<hbm>> -> memref<256x128xf32, #tpu.memory_space<hbm>>
      tpu.wait_dma2 semaphore(%arg15 : memref<!tpu.dma_semaphore, #tpu.memory_space<semaphore_mem>>) src(%arg9 : memref<256x128xf32, #tpu.memory_space<vmem>>) dst(%dma_wait3A_128 : memref<256x128xf32, #tpu.memory_space<hbm>>)
      %dma_wait3A_129 = arith.constant 0 : i32
      %dma_wait3A_130 = tpu.memref_slice %arg5[%add3A_109, %dma_wait3A_129] : memref<16384x128xf32, #tpu.memory_space<hbm>> -> memref<256x128xf32, #tpu.memory_space<hbm>>
      %dma_wait3A_131 = arith.constant 0 : i32
      %dma_wait3A_132 = tpu.memref_slice %arg5[%add3A_109, %dma_wait3A_131] : memref<16384x128xf32, #tpu.memory_space<hbm>> -> memref<256x128xf32, #tpu.memory_space<hbm>>
      tpu.wait_dma2 semaphore(%arg16 : memref<!tpu.dma_semaphore, #tpu.memory_space<semaphore_mem>>) src(%arg10 : memref<256x128xf32, #tpu.memory_space<vmem>>) dst(%dma_wait3A_132 : memref<256x128xf32, #tpu.memory_space<hbm>>)
      %dma_wait3A_133 = arith.constant 0 : i32
      %dma_wait3A_134 = tpu.memref_slice %arg5[%add3A_120, %dma_wait3A_133] : memref<16384x128xf32, #tpu.memory_space<hbm>> -> memref<256x128xf32, #tpu.memory_space<hbm>>
      %dma_wait3A_135 = arith.constant 0 : i32
      %dma_wait3A_136 = tpu.memref_slice %arg5[%add3A_120, %dma_wait3A_135] : memref<16384x128xf32, #tpu.memory_space<hbm>> -> memref<256x128xf32, #tpu.memory_space<hbm>>
      tpu.wait_dma2 semaphore(%arg14 : memref<!tpu.dma_semaphore, #tpu.memory_space<semaphore_mem>>) src(%arg8 : memref<256x128xf32, #tpu.memory_space<vmem>>) dst(%dma_wait3A_136 : memref<256x128xf32, #tpu.memory_space<hbm>>)
    } else {
    }
    %jit3A_36 = arith.constant 2 : i32
    %eq3A_37 = arith.constant 0 : i32
    %eq3A_38 = arith.cmpi eq, %jit3A_36, %eq3A_37 : i32
    %jit3A_39 = arith.constant 1 : i32
    %select_n3A_40 = arith.select %eq3A_38, %jit3A_39, %jit3A_36 : i32
    %rem3A_41 = arith.remsi %add3A, %select_n3A_40 : i32
    %ne3A_42 = arith.constant 0 : i32
    %ne3A_43 = arith.cmpi ne, %rem3A_41, %ne3A_42 : i32
    %lt3A_44 = arith.constant 0 : i32
    %lt3A_45 = arith.cmpi slt, %rem3A_41, %lt3A_44 : i32
    %lt3A_46 = arith.constant 0 : i32
    %lt3A_47 = arith.cmpi slt, %select_n3A_40, %lt3A_46 : i32
    %ne3A_48 = arith.xori %lt3A_45, %lt3A_47 : i1
    %and3A_49 = arith.andi %ne3A_48, %ne3A_43 : i1
    %add3A_50 = arith.addi %rem3A_41, %select_n3A_40 : i32
    %select_n3A_51 = arith.select %and3A_49, %add3A_50, %rem3A_41 : i32
    %eq3A_52 = arith.constant 1 : i32
    %eq3A_53 = arith.cmpi eq, %select_n3A_51, %eq3A_52 : i32
    %convert_element_type3A_54 = arith.extui %eq3A_53 : i1 to i32
    %cond3A_55 = arith.constant 0 : i32
    %cond3A_56 = arith.cmpi ne, %convert_element_type3A_54, %cond3A_55 : i32
    scf.if %cond3A_56 {
      %dma_start3A = arith.constant 0 : i32
      %dma_start3A_57 = tpu.memref_slice %arg7[%dma_start3A] : memref<1024xi32, #tpu.memory_space<vmem>> -> memref<256xi32, #tpu.memory_space<vmem>>
      %dma_start3A_58 = arith.constant 0 : i32
      %dma_start3A_59 = arith.constant 0 : i32
      %dma_start3A_60 = tpu.memref_slice %arg4[%dma_start3A_58, %dma_start3A_59] : memref<100000x128xf32, #tpu.memory_space<hbm>> -> memref<100000x128xf32, #tpu.memory_space<hbm>>
      tpu.enqueue_indirect_dma source(%dma_start3A_60 : memref<100000x128xf32, #tpu.memory_space<hbm>>) target(%arg8 : memref<256x128xf32, #tpu.memory_space<vmem>>) offsets(%dma_start3A_57 : memref<256xi32, #tpu.memory_space<vmem>>) semaphore(%arg11 : memref<!tpu.dma_semaphore, #tpu.memory_space<semaphore_mem>>)
      %add3A_61 = arith.constant 256 : i32
      %add3A_62 = arith.addi %mul3A_18, %add3A_61 : i32
      "tpu.region"() ({
        %run_scoped3A = tpu.sem_alloc : memref<!tpu.dma_semaphore, #tpu.memory_space<semaphore_mem>>
        %dma_start3A_137 = arith.constant 256 : i32
        %dma_start3A_138 = tpu.memref_slice %arg7[%dma_start3A_137] : memref<1024xi32, #tpu.memory_space<vmem>> -> memref<768xi32, #tpu.memory_space<vmem>>
        %dma_start3A_139 = tpu.memref_slice %arg2[%add3A_62] : memref<16384xi32, #tpu.memory_space<hbm>> -> memref<768xi32, #tpu.memory_space<hbm>>
        %dma_start3A_140 = arith.constant 256 : i32
        %dma_start3A_141 = tpu.memref_slice %arg7[%dma_start3A_140] : memref<1024xi32, #tpu.memory_space<vmem>> -> memref<768xi32, #tpu.memory_space<vmem>>
        %dma_start3A_142 = tpu.memref_slice %arg2[%add3A_62] : memref<16384xi32, #tpu.memory_space<hbm>> -> memref<768xi32, #tpu.memory_space<hbm>>
        tpu.enqueue_dma source(%dma_start3A_142 : memref<768xi32, #tpu.memory_space<hbm>>) target(%dma_start3A_141 : memref<768xi32, #tpu.memory_space<vmem>>) target_semaphore(%run_scoped3A : memref<!tpu.dma_semaphore, #tpu.memory_space<semaphore_mem>>)
        %dma_wait3A_143 = arith.constant 256 : i32
        %dma_wait3A_144 = tpu.memref_slice %arg7[%dma_wait3A_143] : memref<1024xi32, #tpu.memory_space<vmem>> -> memref<768xi32, #tpu.memory_space<vmem>>
        %dma_wait3A_145 = tpu.memref_slice %arg2[%add3A_62] : memref<16384xi32, #tpu.memory_space<hbm>> -> memref<768xi32, #tpu.memory_space<hbm>>
        %dma_wait3A_146 = arith.constant 256 : i32
        %dma_wait3A_147 = tpu.memref_slice %arg7[%dma_wait3A_146] : memref<1024xi32, #tpu.memory_space<vmem>> -> memref<768xi32, #tpu.memory_space<vmem>>
        %dma_wait3A_148 = tpu.memref_slice %arg2[%add3A_62] : memref<16384xi32, #tpu.memory_space<hbm>> -> memref<768xi32, #tpu.memory_space<hbm>>
        tpu.wait_dma2 semaphore(%run_scoped3A : memref<!tpu.dma_semaphore, #tpu.memory_space<semaphore_mem>>) src(%dma_wait3A_148 : memref<768xi32, #tpu.memory_space<hbm>>) dst(%dma_wait3A_147 : memref<768xi32, #tpu.memory_space<vmem>>)
        tpu.yield
      }) : () -> ()
      %dma_start3A_63 = arith.constant 256 : i32
      %dma_start3A_64 = tpu.memref_slice %arg7[%dma_start3A_63] : memref<1024xi32, #tpu.memory_space<vmem>> -> memref<256xi32, #tpu.memory_space<vmem>>
      %dma_start3A_65 = arith.constant 0 : i32
      %dma_start3A_66 = arith.constant 0 : i32
      %dma_start3A_67 = tpu.memref_slice %arg4[%dma_start3A_65, %dma_start3A_66] : memref<100000x128xf32, #tpu.memory_space<hbm>> -> memref<100000x128xf32, #tpu.memory_space<hbm>>
      tpu.enqueue_indirect_dma source(%dma_start3A_67 : memref<100000x128xf32, #tpu.memory_space<hbm>>) target(%arg9 : memref<256x128xf32, #tpu.memory_space<vmem>>) offsets(%dma_start3A_64 : memref<256xi32, #tpu.memory_space<vmem>>) semaphore(%arg12 : memref<!tpu.dma_semaphore, #tpu.memory_space<semaphore_mem>>)
      %dma_wait3A = arith.constant 0 : i32
      %dma_wait3A_68 = tpu.memref_slice %arg7[%dma_wait3A] : memref<1024xi32, #tpu.memory_space<vmem>> -> memref<256xi32, #tpu.memory_space<vmem>>
      %dma_wait3A_69 = arith.constant 0 : i32
      %dma_wait3A_70 = arith.constant 0 : i32
      %dma_wait3A_71 = tpu.memref_slice %arg4[%dma_wait3A_69, %dma_wait3A_70] : memref<100000x128xf32, #tpu.memory_space<hbm>> -> memref<100000x128xf32, #tpu.memory_space<hbm>>
      tpu.wait_indirect_dma semaphore(%arg11 : memref<!tpu.dma_semaphore, #tpu.memory_space<semaphore_mem>>) src(%dma_wait3A_71 : memref<100000x128xf32, #tpu.memory_space<hbm>>) dst(%arg8 : memref<256x128xf32, #tpu.memory_space<vmem>>)
      %add3A_72 = arith.constant 0 : i32
      %add3A_73 = arith.addi %mul3A_18, %add3A_72 : i32
      %dma_start3A_74 = arith.constant 0 : i32
      %dma_start3A_75 = tpu.memref_slice %arg6[%add3A_73, %dma_start3A_74] : memref<16384x128xf32, #tpu.memory_space<hbm>> -> memref<256x128xf32, #tpu.memory_space<hbm>>
      %dma_start3A_76 = arith.constant 0 : i32
      %dma_start3A_77 = tpu.memref_slice %arg6[%add3A_73, %dma_start3A_76] : memref<16384x128xf32, #tpu.memory_space<hbm>> -> memref<256x128xf32, #tpu.memory_space<hbm>>
      tpu.enqueue_dma source(%arg8 : memref<256x128xf32, #tpu.memory_space<vmem>>) target(%dma_start3A_77 : memref<256x128xf32, #tpu.memory_space<hbm>>) target_semaphore(%arg14 : memref<!tpu.dma_semaphore, #tpu.memory_space<semaphore_mem>>)
      %dma_start3A_78 = arith.constant 512 : i32
      %dma_start3A_79 = tpu.memref_slice %arg7[%dma_start3A_78] : memref<1024xi32, #tpu.memory_space<vmem>> -> memref<256xi32, #tpu.memory_space<vmem>>
      %dma_start3A_80 = arith.constant 0 : i32
      %dma_start3A_81 = arith.constant 0 : i32
      %dma_start3A_82 = tpu.memref_slice %arg4[%dma_start3A_80, %dma_start3A_81] : memref<100000x128xf32, #tpu.memory_space<hbm>> -> memref<100000x128xf32, #tpu.memory_space<hbm>>
      tpu.enqueue_indirect_dma source(%dma_start3A_82 : memref<100000x128xf32, #tpu.memory_space<hbm>>) target(%arg10 : memref<256x128xf32, #tpu.memory_space<vmem>>) offsets(%dma_start3A_79 : memref<256xi32, #tpu.memory_space<vmem>>) semaphore(%arg13 : memref<!tpu.dma_semaphore, #tpu.memory_space<semaphore_mem>>)
      %dma_wait3A_83 = arith.constant 256 : i32
      %dma_wait3A_84 = tpu.memref_slice %arg7[%dma_wait3A_83] : memref<1024xi32, #tpu.memory_space<vmem>> -> memref<256xi32, #tpu.memory_space<vmem>>
      %dma_wait3A_85 = arith.constant 0 : i32
      %dma_wait3A_86 = arith.constant 0 : i32
      %dma_wait3A_87 = tpu.memref_slice %arg4[%dma_wait3A_85, %dma_wait3A_86] : memref<100000x128xf32, #tpu.memory_space<hbm>> -> memref<100000x128xf32, #tpu.memory_space<hbm>>
      tpu.wait_indirect_dma semaphore(%arg12 : memref<!tpu.dma_semaphore, #tpu.memory_space<semaphore_mem>>) src(%dma_wait3A_87 : memref<100000x128xf32, #tpu.memory_space<hbm>>) dst(%arg9 : memref<256x128xf32, #tpu.memory_space<vmem>>)
      %add3A_88 = arith.constant 256 : i32
      %add3A_89 = arith.addi %mul3A_18, %add3A_88 : i32
      %dma_start3A_90 = arith.constant 0 : i32
      %dma_start3A_91 = tpu.memref_slice %arg6[%add3A_89, %dma_start3A_90] : memref<16384x128xf32, #tpu.memory_space<hbm>> -> memref<256x128xf32, #tpu.memory_space<hbm>>
      %dma_start3A_92 = arith.constant 0 : i32
      %dma_start3A_93 = tpu.memref_slice %arg6[%add3A_89, %dma_start3A_92] : memref<16384x128xf32, #tpu.memory_space<hbm>> -> memref<256x128xf32, #tpu.memory_space<hbm>>
      tpu.enqueue_dma source(%arg9 : memref<256x128xf32, #tpu.memory_space<vmem>>) target(%dma_start3A_93 : memref<256x128xf32, #tpu.memory_space<hbm>>) target_semaphore(%arg15 : memref<!tpu.dma_semaphore, #tpu.memory_space<semaphore_mem>>)
      %dma_wait3A_94 = arith.constant 0 : i32
      %dma_wait3A_95 = tpu.memref_slice %arg6[%add3A_73, %dma_wait3A_94] : memref<16384x128xf32, #tpu.memory_space<hbm>> -> memref<256x128xf32, #tpu.memory_space<hbm>>
      %dma_wait3A_96 = arith.constant 0 : i32
      %dma_wait3A_97 = tpu.memref_slice %arg6[%add3A_73, %dma_wait3A_96] : memref<16384x128xf32, #tpu.memory_space<hbm>> -> memref<256x128xf32, #tpu.memory_space<hbm>>
      tpu.wait_dma2 semaphore(%arg14 : memref<!tpu.dma_semaphore, #tpu.memory_space<semaphore_mem>>) src(%arg8 : memref<256x128xf32, #tpu.memory_space<vmem>>) dst(%dma_wait3A_97 : memref<256x128xf32, #tpu.memory_space<hbm>>)
      %dma_start3A_98 = arith.constant 768 : i32
      %dma_start3A_99 = tpu.memref_slice %arg7[%dma_start3A_98] : memref<1024xi32, #tpu.memory_space<vmem>> -> memref<256xi32, #tpu.memory_space<vmem>>
      %dma_start3A_100 = arith.constant 0 : i32
      %dma_start3A_101 = arith.constant 0 : i32
      %dma_start3A_102 = tpu.memref_slice %arg4[%dma_start3A_100, %dma_start3A_101] : memref<100000x128xf32, #tpu.memory_space<hbm>> -> memref<100000x128xf32, #tpu.memory_space<hbm>>
      tpu.enqueue_indirect_dma source(%dma_start3A_102 : memref<100000x128xf32, #tpu.memory_space<hbm>>) target(%arg8 : memref<256x128xf32, #tpu.memory_space<vmem>>) offsets(%dma_start3A_99 : memref<256xi32, #tpu.memory_space<vmem>>) semaphore(%arg11 : memref<!tpu.dma_semaphore, #tpu.memory_space<semaphore_mem>>)
      %dma_wait3A_103 = arith.constant 512 : i32
      %dma_wait3A_104 = tpu.memref_slice %arg7[%dma_wait3A_103] : memref<1024xi32, #tpu.memory_space<vmem>> -> memref<256xi32, #tpu.memory_space<vmem>>
      %dma_wait3A_105 = arith.constant 0 : i32
      %dma_wait3A_106 = arith.constant 0 : i32
      %dma_wait3A_107 = tpu.memref_slice %arg4[%dma_wait3A_105, %dma_wait3A_106] : memref<100000x128xf32, #tpu.memory_space<hbm>> -> memref<100000x128xf32, #tpu.memory_space<hbm>>
      tpu.wait_indirect_dma semaphore(%arg13 : memref<!tpu.dma_semaphore, #tpu.memory_space<semaphore_mem>>) src(%dma_wait3A_107 : memref<100000x128xf32, #tpu.memory_space<hbm>>) dst(%arg10 : memref<256x128xf32, #tpu.memory_space<vmem>>)
      %add3A_108 = arith.constant 512 : i32
      %add3A_109 = arith.addi %mul3A_18, %add3A_108 : i32
      %dma_start3A_110 = arith.constant 0 : i32
      %dma_start3A_111 = tpu.memref_slice %arg6[%add3A_109, %dma_start3A_110] : memref<16384x128xf32, #tpu.memory_space<hbm>> -> memref<256x128xf32, #tpu.memory_space<hbm>>
      %dma_start3A_112 = arith.constant 0 : i32
      %dma_start3A_113 = tpu.memref_slice %arg6[%add3A_109, %dma_start3A_112] : memref<16384x128xf32, #tpu.memory_space<hbm>> -> memref<256x128xf32, #tpu.memory_space<hbm>>
      tpu.enqueue_dma source(%arg10 : memref<256x128xf32, #tpu.memory_space<vmem>>) target(%dma_start3A_113 : memref<256x128xf32, #tpu.memory_space<hbm>>) target_semaphore(%arg16 : memref<!tpu.dma_semaphore, #tpu.memory_space<semaphore_mem>>)
      %dma_wait3A_114 = arith.constant 768 : i32
      %dma_wait3A_115 = tpu.memref_slice %arg7[%dma_wait3A_114] : memref<1024xi32, #tpu.memory_space<vmem>> -> memref<256xi32, #tpu.memory_space<vmem>>
      %dma_wait3A_116 = arith.constant 0 : i32
      %dma_wait3A_117 = arith.constant 0 : i32
      %dma_wait3A_118 = tpu.memref_slice %arg4[%dma_wait3A_116, %dma_wait3A_117] : memref<100000x128xf32, #tpu.memory_space<hbm>> -> memref<100000x128xf32, #tpu.memory_space<hbm>>
      tpu.wait_indirect_dma semaphore(%arg11 : memref<!tpu.dma_semaphore, #tpu.memory_space<semaphore_mem>>) src(%dma_wait3A_118 : memref<100000x128xf32, #tpu.memory_space<hbm>>) dst(%arg8 : memref<256x128xf32, #tpu.memory_space<vmem>>)
      %add3A_119 = arith.constant 768 : i32
      %add3A_120 = arith.addi %mul3A_18, %add3A_119 : i32
      %dma_start3A_121 = arith.constant 0 : i32
      %dma_start3A_122 = tpu.memref_slice %arg6[%add3A_120, %dma_start3A_121] : memref<16384x128xf32, #tpu.memory_space<hbm>> -> memref<256x128xf32, #tpu.memory_space<hbm>>
      %dma_start3A_123 = arith.constant 0 : i32
      %dma_start3A_124 = tpu.memref_slice %arg6[%add3A_120, %dma_start3A_123] : memref<16384x128xf32, #tpu.memory_space<hbm>> -> memref<256x128xf32, #tpu.memory_space<hbm>>
      tpu.enqueue_dma source(%arg8 : memref<256x128xf32, #tpu.memory_space<vmem>>) target(%dma_start3A_124 : memref<256x128xf32, #tpu.memory_space<hbm>>) target_semaphore(%arg14 : memref<!tpu.dma_semaphore, #tpu.memory_space<semaphore_mem>>)
      %dma_wait3A_125 = arith.constant 0 : i32
      %dma_wait3A_126 = tpu.memref_slice %arg6[%add3A_89, %dma_wait3A_125] : memref<16384x128xf32, #tpu.memory_space<hbm>> -> memref<256x128xf32, #tpu.memory_space<hbm>>
      %dma_wait3A_127 = arith.constant 0 : i32
      %dma_wait3A_128 = tpu.memref_slice %arg6[%add3A_89, %dma_wait3A_127] : memref<16384x128xf32, #tpu.memory_space<hbm>> -> memref<256x128xf32, #tpu.memory_space<hbm>>
      tpu.wait_dma2 semaphore(%arg15 : memref<!tpu.dma_semaphore, #tpu.memory_space<semaphore_mem>>) src(%arg9 : memref<256x128xf32, #tpu.memory_space<vmem>>) dst(%dma_wait3A_128 : memref<256x128xf32, #tpu.memory_space<hbm>>)
      %dma_wait3A_129 = arith.constant 0 : i32
      %dma_wait3A_130 = tpu.memref_slice %arg6[%add3A_109, %dma_wait3A_129] : memref<16384x128xf32, #tpu.memory_space<hbm>> -> memref<256x128xf32, #tpu.memory_space<hbm>>
      %dma_wait3A_131 = arith.constant 0 : i32
      %dma_wait3A_132 = tpu.memref_slice %arg6[%add3A_109, %dma_wait3A_131] : memref<16384x128xf32, #tpu.memory_space<hbm>> -> memref<256x128xf32, #tpu.memory_space<hbm>>
      tpu.wait_dma2 semaphore(%arg16 : memref<!tpu.dma_semaphore, #tpu.memory_space<semaphore_mem>>) src(%arg10 : memref<256x128xf32, #tpu.memory_space<vmem>>) dst(%dma_wait3A_132 : memref<256x128xf32, #tpu.memory_space<hbm>>)
      %dma_wait3A_133 = arith.constant 0 : i32
      %dma_wait3A_134 = tpu.memref_slice %arg6[%add3A_120, %dma_wait3A_133] : memref<16384x128xf32, #tpu.memory_space<hbm>> -> memref<256x128xf32, #tpu.memory_space<hbm>>
      %dma_wait3A_135 = arith.constant 0 : i32
      %dma_wait3A_136 = tpu.memref_slice %arg6[%add3A_120, %dma_wait3A_135] : memref<16384x128xf32, #tpu.memory_space<hbm>> -> memref<256x128xf32, #tpu.memory_space<hbm>>
      tpu.wait_dma2 semaphore(%arg14 : memref<!tpu.dma_semaphore, #tpu.memory_space<semaphore_mem>>) src(%arg8 : memref<256x128xf32, #tpu.memory_space<vmem>>) dst(%dma_wait3A_136 : memref<256x128xf32, #tpu.memory_space<hbm>>)
    } else {
    }
    return
  }
}

</mosaic_0001>

<sc_bundles>
// kernel: kernel.3.cloned.1.call-start
scs
__scs_entry_jumppad:
0x0: {  	(pc) =	sbr.rel $0x88, $3  }
0x1: {  	(tag) =	ssettag $0x0;
	lr =	simm.s32 $0x1  }
0x2: {  	[smem:$0x3F9E] =	sst lr;
	_ =	strace $0xD0000000  }
0x3: {  	_ = 	snop  }
0x4: {  	_ = 	snop  }
0x5: {  	_ = 	snop  }
0x6: {  	_ = 	snop  }
0x7: {  	_ = 	snop  }
__scs_overlays_trampoline_lowered:
0x8: {  	[smem:$0x3FAD] =	sst s0  }
0x9: {  	[smem:$0x3FAE] =	sst s1  }
0xa: {  	[smem:$0x3FAF] =	sst s2  }
0xb: {  	[smem:$0x3FB0] =	sst s3  }
0xc: {  	[smem:$0x3FB1] =	sst s4  }
0xd: {  	[smem:$0x3FB2] =	sst s5  }
0xe: {  	[smem:$0x3FB3] =	sst s6  }
0xf: {  	[smem:$0x3FB4] =	sst s7  }
0x10: {  	[smem:$0x3FB5] =	sst s8  }
0x11: {  	[smem:$0x3FB6] =	sst s9;
	s0 =	simm.s32 @!p0 $0x0  }
0x12: {  	s1 =	sld [smem:$0x3F9C];
	s0 =	simm.s32 @p0 $0x1  }
0x13: {  	[smem:$0x3FB7] =	sst s0;
	s0 =	simm.s32 @!p1 $0x0  }
0x14: {  	s2 =	sld [smem:$0x3F9B];
	s0 =	simm.s32 @p1 $0x1  }
0x15: {  	[smem:$0x3FB8] =	sst s0;
	s0 =	simm.s32 @!p2 $0x0  }
0x16: {  	s3 =	sld [smem:$0x3FDB];
	s0 =	simm.s32 @p2 $0x1  }
0x17: {  	s4 =	simm.s32 $0x1BF5;
	[smem:$0x3FBA] =	sst s0  }
0x18: {  	s0 =	sld [smem:$0x3F9D];
	_ =	swait.ge [sflag:s4], $0x0  }
0x19: {  	s7 =	sld [smem:$0x3F9E]  }
0x1a: {  	s8 =	sadd.s32 $0xFFFFE003, lr  }
0x1b: {  	s9 =	sadd.s32 $0xFFFFFEF7, lr;
	s5 =	simm.s32 $0xFFFFFFFF;
	p2 =	slt.u32 s8, $0xFFFFF086  }
0x1c: {  	p1 =	slt.u32 s9, $0xF7A;
	s5 =	simm.s32 @!p2 $0x0  }
0x1d: {  	s5 =	simm.s32 @p1 $0x1;
	p0 =	seq.s32 s7, s2  }
0x1e: {  	s7 =	smul.u32 @!p0 $0xF7A, s2;
	p2 =	seq.s32 @!p0 s5, $0x0  }
0x1f: {  	s9 =	smul.u32 $0xF7A, s1;
	s8 =	simm.s32 @!p0 $0x1BF5;
	p2 =	por !p2, p0  }
0x20: {  	[sflag:s8] =	ssyncset.s32 @!p0 $0xFFFFF086;
	s6 =	sadd.s32 @!p0 s3, s7;
	s7 =	simm.s32 @!p0 $0x108  }
0x21: {  	s3 =	sadd.s32 s3, s9;
	s6 =	sadd.s32 @!p0 $0x88, s6;
	s7 =	simm.s32 @p2 $0x1082  }
0x22: {  	[simem:s7], [sflag:s8] =	dma.local @!p0 [hbm:s6], $0xF7A  }
0x23: {  	s9 =	sor.u32 $0xD0000000, s2;
	s6 =	simm.s32 $0x108;
	_ =	swait.ge @!p0 [sflag:s8], $0x0  }
0x24: {  	s3 =	sadd.s32 $0x88, s3;
	s6 =	simm.s32 @!p1 $0x1082;
	[sflag:s4] =	ssyncset.s32 $0xFFFFF086  }
0x25: {  	[simem:s6], [sflag:s4] =	dma.local [hbm:s3], $0xF7A  }
0x26: {  	[smem:$0x3F9E] =	sst s1;
	(tag) =	ssettag s2;
	_ =	strace s9  }
0x27: {  	s1 =	sld [smem:$0x3FAE]  }
0x28: {  	s2 =	sld [smem:$0x3FAF]  }
0x29: {  	s4 =	sld [smem:$0x3FB1]  }
0x2a: {  	p0 =	seq.s32 s5, $0x0;
	s5 =	sld [smem:$0x3FB2]  }
0x2b: {  	s6 =	sld [smem:$0x3FB3]  }
0x2c: {  	s7 =	sld [smem:$0x3FB4]  }
0x2d: {  	s3 =	simm.s32 $0x108;
	s8 =	sld [smem:$0x3FB5]  }
0x2e: {  	s3 =	simm.s32 @!p0 $0x1082;
	s9 =	sld [smem:$0x3FB6]  }
0x2f: {  	lr =	sadd.s32 s0, s3;
	s0 =	sld [smem:$0x3FAD]  }
0x30: {  	s3 =	sld [smem:$0x3FB0]  }
0x31: {  	[smem:$0x3FB9] =	sst s10  }
0x32: {  	s10 =	sld [smem:$0x3FB7];
	_ =	sdelay $0x3  }
0x33: {  	p0 =	seq.s32 s10, $0x1;
	s10 =	sld [smem:$0x3FB9];
	_ =	sdelay $0x3  }
0x34: {  	[smem:$0x3FB9] =	sst s10  }
0x35: {  	s10 =	sld [smem:$0x3FB8];
	_ =	sdelay $0x3  }
0x36: {  	p1 =	seq.s32 s10, $0x1;
	s10 =	sld [smem:$0x3FB9];
	_ =	sdelay $0x3  }
0x37: {  	[smem:$0x3FB9] =	sst s10  }
0x38: {  	s10 =	sld [smem:$0x3FBA]  }
0x39: {  	_ = 	snop;
	(pc) =	sbr.ind lr, $3  }
0x3a: {  	_ = 	snop  }
0x3b: {  	_ = 	snop  }
0x3c: {  	p2 =	seq.s32 s10, $0x1;
	s10 =	sld [smem:$0x3FB9]  }
0x3d: {  	_ =	shalt  }
0x3e: {  	_ =	shalt  }
0x3f: {  	_ =	shalt  }
0x40: {  	_ =	shalt  }
0x41: {  	_ =	shalt  }
0x42: {  	_ =	shalt  }
0x43: {  	_ =	shalt  }
0x44: {  	_ =	shalt  }
0x45: {  	_ =	shalt  }
0x46: {  	_ =	shalt  }
0x47: {  	_ =	shalt  }
0x48: {  	_ =	shalt  }
0x49: {  	_ =	shalt  }
0x4a: {  	_ =	shalt  }
0x4b: {  	_ =	shalt  }
0x4c: {  	_ =	shalt  }
0x4d: {  	_ =	shalt  }
0x4e: {  	_ =	shalt  }
0x4f: {  	_ =	shalt  }
0x50: {  	_ =	shalt  }
0x51: {  	_ =	shalt  }
0x52: {  	_ =	shalt  }
0x53: {  	_ =	shalt  }
0x54: {  	_ =	shalt  }
0x55: {  	_ =	shalt  }
0x56: {  	_ =	shalt  }
0x57: {  	_ =	shalt  }
0x58: {  	_ =	shalt  }
0x59: {  	_ =	shalt  }
0x5a: {  	_ =	shalt  }
0x5b: {  	_ =	shalt  }
0x5c: {  	_ =	shalt  }
0x5d: {  	_ =	shalt  }
0x5e: {  	_ =	shalt  }
0x5f: {  	_ =	shalt  }
0x60: {  	_ =	shalt  }
0x61: {  	_ =	shalt  }
0x62: {  	_ =	shalt  }
0x63: {  	_ =	shalt  }
0x64: {  	_ =	shalt  }
0x65: {  	_ =	shalt  }
0x66: {  	_ =	shalt  }
0x67: {  	_ =	shalt  }
0x68: {  	_ =	shalt  }
0x69: {  	_ =	shalt  }
0x6a: {  	_ =	shalt  }
0x6b: {  	_ =	shalt  }
0x6c: {  	_ =	shalt  }
0x6d: {  	_ =	shalt  }
0x6e: {  	_ =	shalt  }
0x6f: {  	_ =	shalt  }
0x70: {  	_ =	shalt  }
0x71: {  	_ =	shalt  }
0x72: {  	_ =	shalt  }
0x73: {  	_ =	shalt  }
0x74: {  	_ =	shalt  }
0x75: {  	_ =	shalt  }
0x76: {  	_ =	shalt  }
0x77: {  	_ =	shalt  }
0x78: {  	_ =	shalt  }
0x79: {  	_ =	shalt  }
0x7a: {  	_ =	shalt  }
0x7b: {  	_ =	shalt  }
0x7c: {  	_ =	shalt  }
0x7d: {  	_ =	shalt  }
0x7e: {  	_ =	shalt  }
0x7f: {  	_ =	shalt  }
0x80: {  	_ =	shalt  }
0x81: {  	_ =	shalt  }
0x82: {  	_ =	shalt  }
0x83: {  	_ =	shalt  }
0x84: {  	_ =	shalt  }
0x85: {  	_ =	shalt  }
0x86: {  	_ =	shalt  }
0x87: {  	_ =	shalt  }
.Lfunc_end0:
.L_simem_size_0:
called_computation_lowered:
.L_overlay_start_0:
0x88: {  	s2 =	sld [smem:$0x3FD9]  }
0x89: {  	s3 =	sld [smem:$0x3FFE];
	_ =	sdelay $0x1  }
0x8a: {  	s1 =	srdreg.scid  }
0x8b: {  	s0 =	sand.u32 $0x1, s1  }
0x8c: {  	s15 =	sshll.u32 s0, $0xA;
	s2 =	sadd.s32 s3, s2  }
0x8d: {  	s2 =	sadd.s32 s2, s15  }
0x8e: {  	[smem:$0x3FC5] =	sst s2  }
0x8f: {  	_ = 	snop  }
0x90: {  	s2 =	sld [smem:$0x3FD0]  }
0x91: {  	s16 =	sld [smem:$0x3FC9]  }
0x92: {  	s4 =	sld [smem:$0x3FC8]  }
0x93: {  	s6 =	simm.s32 $0xA;
	s7 =	simm.s32 $0x10;
	s5 =	sld [smem:$0x3FC7]  }
0x94: {  	[smem:s7], [sflag:s6] =	dma.local [hbm:s2], $0x1  }
0x95: {  	_ =	swait.eq [sflag:s6], $0x1  }
0x96: {  	[sflag:s6] =	ssyncset.done $0x0  }
0x97: {  	s17 =	sld [smem:$0x10];
	[sflag:s6] =	ssyncadd.s32 $0xFFFFFFFF  }
0x98: {  	s18 =	sld [smem:$0x11];
	(tm) =	ssettm $0x1  }
0x99: {  	s19 =	sld [smem:$0x3FFB];
	_ =	sdelay $0x3  }
0x9a: {  	_ =	strace s19  }
0x9b: {  	s7 =	sld [smem:$0x3FFC];
	_ =	sdelay $0x3  }
0x9c: {  	_ =	strace s7  }
0x9d: {  	s7 =	sld [smem:$0x3FFD];
	_ =	sdelay $0x3  }
0x9e: {  	_ =	strace s7  }
0x9f: {  	_ =	strace $0x8FFFFFFF  }
0xa0: {  	s20 =	sld [smem:$0x3FDB];
	_ =	sdelay $0x1  }
0xa1: {  	s8 =	simm.s32 $_scs_section_size  }
0xa2: {  	s9 =	simm.s32 $_size__tile_overlayer_lowered;
	s10 =	simm.s32 $_tile_overlayer_lowered  }
0xa3: {  	s23 =	simm.s32 $0x1BFF;
	s22 =	sshll.u32 s10, $0x1;
	s7 =	sadd.s32 s8, s20  }
0xa4: {  	s11 =	simm.s32 $0x0;
	s21 =	sshll.u32 s9, $0x1;
	s9 =	sadd.s32 s22, s7  }
0xa5: {  	[timem:s11], [sflag:s23] =	dma.local [hbm:s9], s21  }
0xa6: {  	_ =	swait.ge [sflag:s23], s21  }
0xa7: {  	s8 =	ssub.s32 $0x0, s21;
	[sflag:s23] =	ssyncset.done $0x0  }
0xa8: {  	[sflag:s23] =	ssyncadd.s32 s8;
	_ =	sdelay $0x1  }
0xa9: {  	s24 =	simm.s32 $0x1B8B  }
0xaa: {  	_ =	swait.ge [sflag:s24], $0x1  }
0xab: {  	[sflag:s24] =	ssyncset.done $0x0  }
0xac: {  	s25 =	simm.s32 $0x1B8E;
	[sflag:s24] =	ssyncadd.s32 $0xFFFFFFFF  }
0xad: {  	s26 =	simm.s32 $execute0_lowered;
	[smem:$0x3FD2] =	sst s25  }
0xae: {  	s8 =	sshll.u32 s26, $0x1;
	_ =	strace $0x80000046;
	[dreg:$0x1] =	wrdreg $0xFFFFFFFF  }
0xaf: {  	s28 =	simm.s32 $_size_execute0_lowered;
	s7 =	sadd.s32 s7, s8;
	[dreg:$0x0] =	wrdreg $0x0  }
0xb0: {  	s8 =	sshll.u32 s28, $0x1;
	[dreg:$0x2] =	wrdreg s7  }
0xb1: {  	[dreg:$0x3] =	wrdreg s8  }
0xb2: {  	[dreg:$0x4] =	wrdreg $0xC0  }
0xb3: {  	_ =	task [dreg:s11], $0x5FFFF  }
0xb4: {  	[dreg:$0x1] =	wrdreg $0xFFFFFFFF  }
0xb5: {  	[dreg:$0x0] =	wrdreg $0x60  }
0xb6: {  	[dreg:$0x2] =	wrdreg s16  }
0xb7: {  	[dreg:$0x3] =	wrdreg s4  }
0xb8: {  	[dreg:$0x4] =	wrdreg s5  }
0xb9: {  	[dreg:$0x5] =	wrdreg s17  }
0xba: {  	[dreg:$0x6] =	wrdreg s18  }
0xbb: {  	[dreg:$0x7] =	wrdreg $0x9  }
0xbc: {  	_ =	task.clear_ibuf [dreg:s11], $0x8FFFF;
	_ =	strace $0x90000046  }
0xbd: {  	s29 =	simm.s32 $0x9;
	_ =	strace $0x80000048  }
0xbe: {  	_ =	swait.ge [sflag:s29], $0x1  }
0xbf: {  	[sflag:s29] =	ssyncadd.s32 $0xFFFFFFFF  }
0xc0: {  	_ =	strace $0x90000048  }
0xc1: {  	_ =	sfence  }
0xc2: {  	s30 =	sld [smem:$0x0];
	_ =	sdelay $0x2  }
0xc3: {  	s31 =	sshll.u32 s1, $0xD;
	s1 =	sshrl.u32 s1, $0x2  }
0xc4: {  	s3 =	sand.u32 $0x4000, s31;
	s1 =	sadd.s32 s1, s30  }
0xc5: {  	s0 =	sor.u32 s3, s0;
	s1 =	sshll.u32 s1, $0x11  }
0xc6: {  	s0 =	sor.u32 s1, s0  }
0xc7: {  	s0 =	sadd.s32 $0x8F2B, s0  }
0xc8: {  	[sflag:s0] =	ssyncadd.remote.s32 $0x1  }
0xc9: {  	_ =	sfence.sel $0xFFFF  }
0xca: {  	[dreg:$0x0] =	wrdreg $0xFFFFFFFF;
	(pc) =	sbr.abs _section_cstart, $3  }
0xcb: {  	[dreg:$0x1] =	wrdreg $0xFFFFFFFF  }
0xcc: {  	_ =	task.clear_ibuf [dreg:s11], $0x2FFFF;
	_ =	strace $0x9FFFFFFF  }
0xcd: {  	(tm) =	ssettm $0x7FFFFFFF  }
tec
execute0_lowered:
.L_overlay_start_1:
0x0: {  	(tag) =	ssettag $0x1  }
0x1: {  	s1 =	srdreg.scid;
	s7 =	rddreg [dreg:$0x0]  }
0x2: {  	s0 =	stileid.u32;
	s9 =	rddreg [dreg:$0x3]  }
0x3: {  	s5 =	simm.s32 $0x1;
	s13 =	rddreg [dreg:$0x4];
	s4 =	simm.s32 $0x0  }
0x4: {  	s17 =	simm.s32 $0x7;
	s19 =	simm.s32 $0x400;
	s20 =	simm.s32 $0x8400  }
0x5: {  	s22 =	simm.s32 $0x10400;
	s23 =	simm.s32 $0x2;
	s28 =	simm.s32 $0x5  }
0x6: {  	s29 =	simm.s32 $0x6;
	s18 =	sand.u32 $0x1, s1;
	s1 =	rddreg [dreg:$0x1]  }
0x7: {  	[smem:$0x7FF] =	sst s4;
	s26 =	sshll.u32 s0, $0xE;
	s2 =	sor.u32 s18, s0  }
0x8: {  	p0 =	seq.s32 s18, $0x1;
	s24 =	ssub.s32 $0x2, s18;
	p1 =	seq.s32 s2, $0x0  }
0x9: {  	s2 =	rddreg [dreg:$0x2];
	s10 =	sshrl.u32 s24, $0x1;
	p1 =	por !p1, !p0  }
0xa: {  	_ =	strace $0x80000047;
	s16 =	ssub.s32 s24, s10;
	p1 =	por !p1, !p1  }
0xb: {  	s24 =	simm.s32 $0x4;
	s16 =	smax.u32 s16, $0x1;
	s5 =	simm.s32 @!p1 $0x0  }
0xc: {  	p1 =	seq.s32 @!p0 s18, $0x0;
	s18 =	simm.s32 $0x100;
	s8 =	ssub.s32 s0, s5  }
0xd: {  	s5 =	simm.s32 $0x1;
	p1 =	por p0, !p1;
	s6 =	sshll.u32 s8, $0xA  }
0xe: {  	s30 =	sshll.u32 s8, $0xE;
	s8 =	sadd.s32 s9, s26;
	s26 =	simm.s32 $0x3  }
0xf: {  	s11 =	sor.u32 $0x100, s6;
	s6 =	sshrl.u32 s6, $0x3;
	s12 =	sand.u32 $0x1FFFC000, s30  }
0x10: {  	s10 =	sadd.s32 $0x2000, s8;
	s25 =	sshrl.u32 s11, $0x3;
	s6 =	sadd.s32 s7, s6  }
0x11: {  	s14 =	sshll.u32 s11, $0x4;
	s11 =	sadd.s32 $0x3000, s8;
	s12 =	sadd.s32 s13, s12  }
0x12: {  	s7 =	sadd.s32 s7, s25;
	s9 =	sadd.s32 s9, s14;
	s31 =	sadd.s32 s13, s14  }
0x13: {  	s14 =	sadd.s32 $0x2000, s12;
	s15 =	sadd.s32 $0x3000, s12;
	[dreg:$0x6] =	wrdreg s31  }
.LBB2_1:
0x14: {  	[tilespmem:s4], [sflag:$0x7] =	stream.linear.gather [hbm4b:s6+s4], $0x100, $0x38;
	[tilespmem:$0x18400] =	vst v63  }
0x15: {  	_ =	swait.ge [sflag:s17], $0x100  }
0x16: {  	s30 =	simm.s32 @!p0 $0x100;
	[sflag:s17] =	ssyncset.done $0x0  }
0x17: {  	s31 =	simm.s32 @!p0 $0x0;
	s3 =	simm.s32 @!p0 $0x400;
	[sflag:s17] =	ssyncadd.s32 $0xFFFFFF00  }
0x18: {  	[tilespmem:s3], [sflag:$0x1] =	stream.indirect.gather @!p0 [hbm4b:s1+s30], $0x80, s31, s30, $0xb8;
	[tilespmem:$0x18400] =	vst v63  }
0x19: {  	s0 =	simm.s32 @!p0 $0x7  }
0x1a: {  	[tilespmem:s30], [sflag:$0x7] =	stream.linear.gather @!p0 [hbm4b:s7+s31], $0x300, $0x38;
	[tilespmem:$0x18400] =	vst v63  }
0x1b: {  	_ =	swait.ge @!p0 [sflag:s0], $0x300  }
0x1c: {  	[sflag:s0] =	ssyncset.done @!p0 $0x0  }
0x1d: {  	s21 =	simm.s32 @!p0 $0x1;
	[sflag:s0] =	ssyncadd.s32 @!p0 $0xFFFFFD00;
	s0 =	simm.s32 @!p0 $0x8400  }
0x1e: {  	[tilespmem:s0], [sflag:$0x2] =	stream.indirect.gather @!p0 [hbm4b:s1+s30], $0x80, s30, s30, $0xb8;
	[tilespmem:$0x18400] =	vst v63  }
0x1f: {  	_ =	swait.ge @!p0 [sflag:s21], $0x8000  }
0x20: {  	[sflag:s21] =	ssyncset.done @!p0 $0x0  }
0x21: {  	[sflag:s21] =	ssyncadd.s32 @!p0 $0xFFFF8000  }
0x22: {  	[hbm4b:s8+s31] =	stream.linear.scatter @!p0 [tilespmem:s3], [sflag:$0x4], $0x8000, $0x38;
	[tilespmem:$0x18400] =	vst v63  }
0x23: {  	s25 =	simm.s32 @!p0 $0x200;
	s13 =	simm.s32 @!p0 $0x10400  }
0x24: {  	[tilespmem:s13], [sflag:$0x3] =	stream.indirect.gather @!p0 [hbm4b:s1+s30], $0x80, s25, s30, $0xb8;
	[tilespmem:$0x18400] =	vst v63  }
0x25: {  	s25 =	simm.s32 @!p0 $0x2  }
0x26: {  	_ =	swait.ge @!p0 [sflag:s25], $0x8000  }
0x27: {  	[sflag:s25] =	ssyncset.done @!p0 $0x0  }
0x28: {  	[sflag:s25] =	ssyncadd.s32 @!p0 $0xFFFF8000  }
0x29: {  	[hbm4b:s9+s31] =	stream.linear.scatter @!p0 [tilespmem:s0], [sflag:$0x5], $0x8000, $0x38;
	[tilespmem:$0x18400] =	vst v63  }
0x2a: {  	s0 =	simm.s32 @!p0 $0x4  }
0x2b: {  	_ =	swait.ge @!p0 [sflag:s0], $0x8000  }
0x2c: {  	[sflag:s0] =	ssyncset.done @!p0 $0x0  }
0x2d: {  	s25 =	simm.s32 @!p0 $0x300;
	[sflag:s0] =	ssyncadd.s32 @!p0 $0xFFFF8000  }
0x2e: {  	[tilespmem:s3], [sflag:$0x1] =	stream.indirect.gather @!p0 [hbm4b:s1+s30], $0x80, s25, s30, $0xb8;
	[tilespmem:$0x18400] =	vst v63  }
0x2f: {  	s25 =	simm.s32 @!p0 $0x3  }
0x30: {  	_ =	swait.ge @!p0 [sflag:s25], $0x8000  }
0x31: {  	[sflag:s25] =	ssyncset.done @!p0 $0x0  }
0x32: {  	[sflag:s25] =	ssyncadd.s32 @!p0 $0xFFFF8000  }
0x33: {  	[hbm4b:s10+s31] =	stream.linear.scatter @!p0 [tilespmem:s13], [sflag:$0x6], $0x8000, $0x38;
	[tilespmem:$0x18400] =	vst v63  }
0x34: {  	_ =	swait.ge @!p0 [sflag:s21], $0x8000  }
0x35: {  	[sflag:s21] =	ssyncset.done @!p0 $0x0  }
0x36: {  	[sflag:s21] =	ssyncadd.s32 @!p0 $0xFFFF8000  }
0x37: {  	[hbm4b:s11+s31] =	stream.linear.scatter @!p0 [tilespmem:s3], [sflag:$0x4], $0x8000, $0x38;
	[tilespmem:$0x18400] =	vst v63  }
0x38: {  	s3 =	simm.s32 @!p0 $0x5  }
0x39: {  	_ =	swait.ge @!p0 [sflag:s3], $0x8000  }
0x3a: {  	[sflag:s3] =	ssyncset.done @!p0 $0x0  }
0x3b: {  	[sflag:s3] =	ssyncadd.s32 @!p0 $0xFFFF8000;
	s3 =	simm.s32 @!p0 $0x6  }
0x3c: {  	_ =	swait.ge @!p0 [sflag:s3], $0x8000  }
0x3d: {  	[sflag:s3] =	ssyncset.done @!p0 $0x0  }
0x3e: {  	[sflag:s3] =	ssyncadd.s32 @!p0 $0xFFFF8000  }
0x3f: {  	_ =	swait.ge @!p0 [sflag:s0], $0x8000  }
0x40: {  	[sflag:s0] =	ssyncset.done @!p0 $0x0  }
0x41: {  	[sflag:s0] =	ssyncadd.s32 @!p0 $0xFFFF8000  }
0x42: {  	[tilespmem:s19], [sflag:$0x1] =	stream.indirect.gather @p1 [hbm4b:s2+s18], $0x80, s4, s18, $0xb8;
	[tilespmem:$0x18400] =	vst v63  }
0x43: {  	_ = 	snop  }
0x44: {  	[tilespmem:s18], [sflag:$0x7] =	stream.linear.gather @p1 [hbm4b:s7+s4], $0x300, $0x38;
	[tilespmem:$0x18400] =	vst v63  }
0x45: {  	_ =	swait.ge @p1 [sflag:s17], $0x300  }
0x46: {  	[sflag:s17] =	ssyncset.done @p1 $0x0  }
0x47: {  	[sflag:s17] =	ssyncadd.s32 @p1 $0xFFFFFD00  }
0x48: {  	[tilespmem:s20], [sflag:$0x2] =	stream.indirect.gather @p1 [hbm4b:s2+s18], $0x80, s18, s18, $0xb8;
	[tilespmem:$0x18400] =	vst v63  }
0x49: {  	_ =	swait.ge @p1 [sflag:s5], $0x8000  }
0x4a: {  	[sflag:s5] =	ssyncset.done @p1 $0x0  }
0x4b: {  	[sflag:s5] =	ssyncadd.s32 @p1 $0xFFFF8000  }
0x4c: {  	[hbm4b:s12+s4] =	stream.linear.scatter @p1 [tilespmem:s19], [sflag:$0x4], $0x8000, $0x38;
	[tilespmem:$0x18400] =	vst v63  }
0x4d: {  	s0 =	simm.s32 @p1 $0x200  }
0x4e: {  	[tilespmem:s22], [sflag:$0x3] =	stream.indirect.gather @p1 [hbm4b:s2+s18], $0x80, s0, s18, $0xb8;
	[tilespmem:$0x18400] =	vst v63  }
0x4f: {  	_ =	swait.ge @p1 [sflag:s23], $0x8000  }
0x50: {  	[sflag:s23] =	ssyncset.done @p1 $0x0  }
0x51: {  	s0 =	rddreg @p1 [dreg:$0x6];
	[sflag:s23] =	ssyncadd.s32 @p1 $0xFFFF8000  }
0x52: {  	[hbm4b:s0+s4] =	stream.linear.scatter @p1 [tilespmem:s20], [sflag:$0x5], $0x8000, $0x38;
	[tilespmem:$0x18400] =	vst v63  }
0x53: {  	_ =	swait.ge @p1 [sflag:s24], $0x8000  }
0x54: {  	[sflag:s24] =	ssyncset.done @p1 $0x0  }
0x55: {  	s0 =	simm.s32 @p1 $0x300;
	[sflag:s24] =	ssyncadd.s32 @p1 $0xFFFF8000  }
0x56: {  	[tilespmem:s19], [sflag:$0x1] =	stream.indirect.gather @p1 [hbm4b:s2+s18], $0x80, s0, s18, $0xb8;
	[tilespmem:$0x18400] =	vst v63  }
0x57: {  	_ =	swait.ge @p1 [sflag:s26], $0x8000  }
0x58: {  	[sflag:s26] =	ssyncset.done @p1 $0x0  }
0x59: {  	[sflag:s26] =	ssyncadd.s32 @p1 $0xFFFF8000  }
0x5a: {  	[hbm4b:s14+s4] =	stream.linear.scatter @p1 [tilespmem:s22], [sflag:$0x6], $0x8000, $0x38;
	[tilespmem:$0x18400] =	vst v63  }
0x5b: {  	_ =	swait.ge @p1 [sflag:s5], $0x8000  }
0x5c: {  	[sflag:s5] =	ssyncset.done @p1 $0x0  }
0x5d: {  	[sflag:s5] =	ssyncadd.s32 @p1 $0xFFFF8000  }
0x5e: {  	[hbm4b:s15+s4] =	stream.linear.scatter @p1 [tilespmem:s19], [sflag:$0x4], $0x8000, $0x38;
	[tilespmem:$0x18400] =	vst v63  }
0x5f: {  	_ =	swait.ge @p1 [sflag:s28], $0x8000  }
0x60: {  	[sflag:s28] =	ssyncset.done @p1 $0x0  }
0x61: {  	s16 =	sadd.s32 $0xFFFFFFFF, s16;
	[sflag:s28] =	ssyncadd.s32 @p1 $0xFFFF8000  }
0x62: {  	p2 =	sne.s32 s16, $0x0;
	_ =	swait.ge @p1 [sflag:s29], $0x8000  }
.Ltmp0:
0x63: {  	[sflag:s29] =	ssyncset.done @p1 $0x0;
	(pc) =	sbr.rel @p2 .LBB2_1-.Ltmp0, $4  }
0x64: {  	[sflag:s29] =	ssyncadd.s32 @p1 $0xFFFF8000  }
0x65: {  	_ =	swait.ge @p1 [sflag:s24], $0x8000  }
0x66: {  	[sflag:s24] =	ssyncset.done @p1 $0x0  }
0x67: {  	[sflag:s24] =	ssyncadd.s32 @p1 $0xFFFF8000  }
0x68: {  	_ =	sfence.sel $0x180000  }
0x69: {  	[bflag:$0x0] =	sbarrier.arrive $0xFFFF  }
0x6a: {  	_ =	strace $0x90000047  }
0x6b: {  	s0 =	stileid.u32;
	[bflag:$0x2] =	sbarrier.arrive $0xFFFF  }
0x6c: {  	p0 =	sne.s32 s0, $0x0;
	s0 =	rddreg [dreg:$0x5]  }
0x6d: {  	s0 =	sadd.s32 @!p0 $0x100000, s0  }
0x6e: {  	[sflag:s0] =	ssyncadd.tile.s32 @!p0 $0x1;
	_ =	shalt  }
.Lfunc_end2:
_tile_overlayer_lowered:
.L_overlay_start_2:
0x6f: {  	(tag) =	ssettag $0x2  }
0x70: {  	s0 =	rddreg [dreg:$0x0];
	s2 =	stileid.u32  }
0x71: {  	s1 =	rddreg [dreg:$0x1];
	p0 =	sne.s32 s2, $0x0  }
0x72: {  	s3 =	rddreg [dreg:$0x2];
	[bflag:$0x3] =	sbarrier.arrive $0xFFFF;
	s2 =	simm.s32 @!p0 $0x1C07  }
0x73: {  	[timem:s3], [sflag:s2] =	dma.local @!p0 [hbm:s0], s1  }
0x74: {  	s0 =	simm.s32 @!p0 $0x7  }
0x75: {  	_ =	swait.ge @!p0 [sflag:s0], s1  }
0x76: {  	s1 =	ssub.s32 @!p0 $0x0, s1;
	[sflag:s0] =	ssyncset.done @!p0 $0x0  }
0x77: {  	[sflag:s0] =	ssyncadd.s32 @!p0 s1  }
0x78: {  	[bflag:$0x3] =	sbarrier.arrive $0xFFFF  }
0x79: {  	_ =	shalt  }

</sc_bundles>
